<compile_context>
chip_gen: v7x
topology: tpu7x:2x2x1
jax: 0.10.2.dev20260603
libtpu: 0.0.44.dev20260713+nightly
codegen_flags: <defaults>
</compile_context>

<pallas_src>
import functools

import jax
import jax.numpy as jnp
from jax import lax
from jax.experimental import pallas as pl
from jax.experimental.pallas import tpu as pltpu
from jax.experimental.pallas import tpu_sc as plsc

NC = 2
NS = 16
NW = NC * NS
NBUF = 4


@functools.partial(jax.jit, static_argnums=(2, 3))
def _sc_gather(idx, table, n_chunks, chunk):
    n_total = idx.shape[0] * idx.shape[1] * idx.shape[2]
    d = table.shape[1]
    assert n_chunks % NBUF == 0 and chunk % 8 == 0
    mesh = plsc.VectorSubcoreMesh(core_axis_name="c", subcore_axis_name="s")

    @functools.partial(
        pl.kernel,
        mesh=mesh,
        out_type=jax.ShapeDtypeStruct((n_total, d), jnp.float32),
        scratch_types=[
            pltpu.VMEM((n_chunks, chunk), jnp.int32),
            pltpu.VMEM((NBUF, chunk, d), jnp.float32),
            [pltpu.SemaphoreType.DMA] * NBUF,
            [pltpu.SemaphoreType.DMA] * NBUF,
        ],
    )
    def k(table_hbm, idx_hbm, out_hbm, idx_v, rows, gsems, ssems):
        wid = lax.axis_index("s") * NC + lax.axis_index("c")
        base = wid * n_chunks * chunk
        pltpu.sync_copy(idx_hbm.at[wid], idx_v)

        def out_at(j):
            return out_hbm.at[pl.ds(base + j * chunk, chunk)]

        def body(jj, carry):
            for b in range(NBUF):
                j = NBUF * jj + b
                pl.when(jj > 0)(
                    lambda b=b, j=j: pltpu.make_async_copy(
                        rows.at[b], out_at(j), ssems[b]).wait())
                pltpu.async_copy(rows.at[b], out_at(j), ssems[b])
            for b in range(NBUF):
                j = NBUF * jj + b

            return carry

        lax.fori_loop(0, n_chunks // NBUF, body, 0)
        last = n_chunks - NBUF
        for b in range(NBUF):
            pltpu.make_async_copy(rows.at[b], out_at(last + b), ssems[b]).wait()

    return k(table, idx)


def kernel(x, table):
    b, s = x.shape
    n_total = b * s
    d = table.shape[1]
    chunk = 40
    n_chunks = n_total // (NW * chunk)
    idx = x.reshape(NW, n_chunks, chunk)
    out = _sc_gather(idx, table, n_chunks, chunk)
    return out.reshape(b, s, d)

# --- scband reference (transcript-rebuilt; emitter-appended) ---
"""Pipeline reference for scband-encoder-pre-net-64879775973722 (READ-ONLY COPY).

The authoritative reference and input builder live on the scoring server;
editing this copy changes nothing except your own understanding.
"""

import jax, jax.numpy as jnp
import numpy as np

N_VOCAB = 100000
DIM = 512
BLANK_ID = 0
BATCH = 1024
SEQ = 200


def setup_inputs(seed: int = 0) -> dict:
    key = jax.random.key(seed)
    k1, k2 = jax.random.split(key)
    # indices into the phoneme embedding table
    x = jax.random.randint(k1, (BATCH, SEQ), 0, N_VOCAB, dtype=jnp.int32)
    # learned embedding table; row at blank_id (padding_idx) is zero-initialized,
    # matching nn.Embedding(padding_idx=blank_id) semantics
    table = jax.random.normal(k2, (N_VOCAB, DIM), dtype=jnp.float32)
    table = table.at[BLANK_ID].set(0.0)
    return {"x": x, "table": table}


def reference(x, table):
    # EncoderPreNet.forward: x -> phoneme_embedding(x)
    # embedding lookup == row gather from the table
    out = jnp.take(table, x, axis=0)
    return out

if __name__ == "__main__":
    import jax
    _d = setup_inputs()
    print(jax.jit(kernel)(*tuple(_d.values())))

</pallas_src>

<mosaic_0001>
#map = affine_map<(d0, d1) -> (0, 0)>
#map1 = affine_map<(d0, d1) -> (0, 0, 0)>
module attributes {stable_mosaic.version = 14 : i64} {
  func.func @k(%arg0: i32, %arg1: i32, %arg2: memref<100000x512xf32, #tpu.memory_space<hbm>>, %arg3: memref<32x160x40xi32, #tpu.memory_space<hbm>>, %arg4: memref<204800x512xf32, #tpu.memory_space<hbm>>, %arg5: memref<160x40xi32, #tpu.memory_space<vmem>>, %arg6: memref<4x40x512xf32, #tpu.memory_space<vmem>>, %arg7: memref<!tpu.dma_semaphore, #tpu.memory_space<semaphore_mem>>, %arg8: memref<!tpu.dma_semaphore, #tpu.memory_space<semaphore_mem>>, %arg9: memref<!tpu.dma_semaphore, #tpu.memory_space<semaphore_mem>>, %arg10: memref<!tpu.dma_semaphore, #tpu.memory_space<semaphore_mem>>, %arg11: memref<!tpu.dma_semaphore, #tpu.memory_space<semaphore_mem>>, %arg12: memref<!tpu.dma_semaphore, #tpu.memory_space<semaphore_mem>>, %arg13: memref<!tpu.dma_semaphore, #tpu.memory_space<semaphore_mem>>, %arg14: memref<!tpu.dma_semaphore, #tpu.memory_space<semaphore_mem>>) attributes {dimension_semantics = [#tpu.dimension_semantics<core_parallel>, #tpu.dimension_semantics<subcore_parallel>], iteration_bounds = array<i64: 2, 16>, scalar_prefetch = 0 : i64, scratch_operands = 10 : i64, tpu.core_type = #tpu.core_type<sc_vector_subcore>, window_params = [{transform_indices = #map}, {transform_indices = #map1}, {transform_indices = #map}]} {
    %mul3A = arith.constant 2 : i32
    %mul3A_0 = arith.muli %arg1, %mul3A : i32
    %add3A = arith.addi %mul3A_0, %arg0 : i32
    %mul3A_1 = arith.constant 160 : i32
    %mul3A_2 = arith.muli %add3A, %mul3A_1 : i32
    %mul3A_3 = arith.constant 40 : i32
    %mul3A_4 = arith.muli %mul3A_2, %mul3A_3 : i32
    "tpu.region"() ({
      %run_scoped3A = tpu.sem_alloc : memref<!tpu.dma_semaphore, #tpu.memory_space<semaphore_mem>>
      %dma_start3A = arith.constant 0 : i32
      %dma_start3A_69 = arith.constant 0 : i32
      %dma_start3A_70 = tpu.memref_slice %arg3[%add3A, %dma_start3A, %dma_start3A_69] : memref<32x160x40xi32, #tpu.memory_space<hbm>> -> memref<1x160x40xi32, #tpu.memory_space<hbm>>
      %dma_start3A_71 = tpu.memref_squeeze %dma_start3A_70 : memref<1x160x40xi32, #tpu.memory_space<hbm>> -> memref<160x40xi32, #tpu.memory_space<hbm>>
      %dma_start3A_72 = arith.constant 0 : i32
      %dma_start3A_73 = arith.constant 0 : i32
      %dma_start3A_74 = tpu.memref_slice %arg3[%add3A, %dma_start3A_72, %dma_start3A_73] : memref<32x160x40xi32, #tpu.memory_space<hbm>> -> memref<1x160x40xi32, #tpu.memory_space<hbm>>
      %dma_start3A_75 = tpu.memref_squeeze %dma_start3A_74 : memref<1x160x40xi32, #tpu.memory_space<hbm>> -> memref<160x40xi32, #tpu.memory_space<hbm>>
      tpu.enqueue_dma source(%dma_start3A_75 : memref<160x40xi32, #tpu.memory_space<hbm>>) target(%arg5 : memref<160x40xi32, #tpu.memory_space<vmem>>) target_semaphore(%run_scoped3A : memref<!tpu.dma_semaphore, #tpu.memory_space<semaphore_mem>>)
      %dma_wait3A_76 = arith.constant 0 : i32
      %dma_wait3A_77 = arith.constant 0 : i32
      %dma_wait3A_78 = tpu.memref_slice %arg3[%add3A, %dma_wait3A_76, %dma_wait3A_77] : memref<32x160x40xi32, #tpu.memory_space<hbm>> -> memref<1x160x40xi32, #tpu.memory_space<hbm>>
      %dma_wait3A_79 = tpu.memref_squeeze %dma_wait3A_78 : memref<1x160x40xi32, #tpu.memory_space<hbm>> -> memref<160x40xi32, #tpu.memory_space<hbm>>
      %dma_wait3A_80 = arith.constant 0 : i32
      %dma_wait3A_81 = arith.constant 0 : i32
      %dma_wait3A_82 = tpu.memref_slice %arg3[%add3A, %dma_wait3A_80, %dma_wait3A_81] : memref<32x160x40xi32, #tpu.memory_space<hbm>> -> memref<1x160x40xi32, #tpu.memory_space<hbm>>
      %dma_wait3A_83 = tpu.memref_squeeze %dma_wait3A_82 : memref<1x160x40xi32, #tpu.memory_space<hbm>> -> memref<160x40xi32, #tpu.memory_space<hbm>>
      tpu.wait_dma2 semaphore(%run_scoped3A : memref<!tpu.dma_semaphore, #tpu.memory_space<semaphore_mem>>) src(%dma_wait3A_83 : memref<160x40xi32, #tpu.memory_space<hbm>>) dst(%arg5 : memref<160x40xi32, #tpu.memory_space<vmem>>)
      tpu.yield
    }) : () -> ()
    %scan3A = arith.constant 0 : i32
    %scan3A_5 = arith.constant 0 : i32
    %scan3A_6 = arith.constant 40 : i32
    %scan3A_7 = arith.addi %scan3A_5, %scan3A_6 : i32
    %scan3A_8 = arith.constant 1 : i32
    scf.for %scan3A_69 = %scan3A_5 to %scan3A_7 step %scan3A_8  : i32 {
      %mul3A_70 = arith.constant 4 : i32
      %mul3A_71 = arith.muli %mul3A_70, %scan3A_69 : i32
      %add3A_72 = arith.constant 0 : i32
      %add3A_73 = arith.addi %mul3A_71, %add3A_72 : i32
      %gt3A = arith.constant 0 : i32
      %gt3A_74 = arith.cmpi sgt, %scan3A_69, %gt3A : i32
      %convert_element_type3A = arith.extui %gt3A_74 : i1 to i32
      %cond3A = arith.constant 0 : i32
      %cond3A_75 = arith.cmpi ne, %convert_element_type3A, %cond3A : i32
      scf.if %cond3A_75 {
        %mul3A_182 = arith.constant 40 : i32
        %mul3A_183 = arith.muli %add3A_73, %mul3A_182 : i32
        %add3A_184 = arith.addi %mul3A_4, %mul3A_183 : i32
        %dma_wait3A_185 = arith.constant 0 : i32
        %dma_wait3A_186 = arith.constant 0 : i32
        %dma_wait3A_187 = arith.constant 0 : i32
        %dma_wait3A_188 = tpu.memref_slice %arg6[%dma_wait3A_185, %dma_wait3A_186, %dma_wait3A_187] : memref<4x40x512xf32, #tpu.memory_space<vmem>> -> memref<1x40x512xf32, #tpu.memory_space<vmem>>
        %dma_wait3A_189 = tpu.memref_squeeze %dma_wait3A_188 : memref<1x40x512xf32, #tpu.memory_space<vmem>> -> memref<40x512xf32, #tpu.memory_space<vmem>>
        %dma_wait3A_190 = arith.constant 0 : i32
        %dma_wait3A_191 = tpu.memref_slice %arg4[%add3A_184, %dma_wait3A_190] : memref<204800x512xf32, #tpu.memory_space<hbm>> -> memref<40x512xf32, #tpu.memory_space<hbm>>
        %dma_wait3A_192 = arith.constant 0 : i32
        %dma_wait3A_193 = tpu.memref_slice %arg4[%add3A_184, %dma_wait3A_192] : memref<204800x512xf32, #tpu.memory_space<hbm>> -> memref<40x512xf32, #tpu.memory_space<hbm>>
        %dma_wait3A_194 = arith.constant 0 : i32
        %dma_wait3A_195 = arith.constant 0 : i32
        %dma_wait3A_196 = tpu.memref_slice %arg6[%dma_wait3A_185, %dma_wait3A_194, %dma_wait3A_195] : memref<4x40x512xf32, #tpu.memory_space<vmem>> -> memref<1x40x512xf32, #tpu.memory_space<vmem>>
        %dma_wait3A_197 = tpu.memref_squeeze %dma_wait3A_196 : memref<1x40x512xf32, #tpu.memory_space<vmem>> -> memref<40x512xf32, #tpu.memory_space<vmem>>
        tpu.wait_dma2 semaphore(%arg11 : memref<!tpu.dma_semaphore, #tpu.memory_space<semaphore_mem>>) src(%dma_wait3A_197 : memref<40x512xf32, #tpu.memory_space<vmem>>) dst(%dma_wait3A_193 : memref<40x512xf32, #tpu.memory_space<hbm>>)
      } else {
      }
      %mul3A_76 = arith.constant 40 : i32
      %mul3A_77 = arith.muli %add3A_73, %mul3A_76 : i32
      %add3A_78 = arith.addi %mul3A_4, %mul3A_77 : i32
      %dma_start3A = arith.constant 0 : i32
      %dma_start3A_79 = arith.constant 0 : i32
      %dma_start3A_80 = arith.constant 0 : i32
      %dma_start3A_81 = tpu.memref_slice %arg6[%dma_start3A, %dma_start3A_79, %dma_start3A_80] : memref<4x40x512xf32, #tpu.memory_space<vmem>> -> memref<1x40x512xf32, #tpu.memory_space<vmem>>
      %dma_start3A_82 = tpu.memref_squeeze %dma_start3A_81 : memref<1x40x512xf32, #tpu.memory_space<vmem>> -> memref<40x512xf32, #tpu.memory_space<vmem>>
      %dma_start3A_83 = arith.constant 0 : i32
      %dma_start3A_84 = tpu.memref_slice %arg4[%add3A_78, %dma_start3A_83] : memref<204800x512xf32, #tpu.memory_space<hbm>> -> memref<40x512xf32, #tpu.memory_space<hbm>>
      %dma_start3A_85 = arith.constant 0 : i32
      %dma_start3A_86 = tpu.memref_slice %arg4[%add3A_78, %dma_start3A_85] : memref<204800x512xf32, #tpu.memory_space<hbm>> -> memref<40x512xf32, #tpu.memory_space<hbm>>
      %dma_start3A_87 = arith.constant 0 : i32
      %dma_start3A_88 = arith.constant 0 : i32
      %dma_start3A_89 = tpu.memref_slice %arg6[%dma_start3A, %dma_start3A_87, %dma_start3A_88] : memref<4x40x512xf32, #tpu.memory_space<vmem>> -> memref<1x40x512xf32, #tpu.memory_space<vmem>>
      %dma_start3A_90 = tpu.memref_squeeze %dma_start3A_89 : memref<1x40x512xf32, #tpu.memory_space<vmem>> -> memref<40x512xf32, #tpu.memory_space<vmem>>
      tpu.enqueue_dma source(%dma_start3A_90 : memref<40x512xf32, #tpu.memory_space<vmem>>) target(%dma_start3A_86 : memref<40x512xf32, #tpu.memory_space<hbm>>) target_semaphore(%arg11 : memref<!tpu.dma_semaphore, #tpu.memory_space<semaphore_mem>>)
      %mul3A_91 = arith.constant 4 : i32
      %mul3A_92 = arith.muli %mul3A_91, %scan3A_69 : i32
      %add3A_93 = arith.constant 1 : i32
      %add3A_94 = arith.addi %mul3A_92, %add3A_93 : i32
      %gt3A_95 = arith.constant 0 : i32
      %gt3A_96 = arith.cmpi sgt, %scan3A_69, %gt3A_95 : i32
      %convert_element_type3A_97 = arith.extui %gt3A_96 : i1 to i32
      %cond3A_98 = arith.constant 0 : i32
      %cond3A_99 = arith.cmpi ne, %convert_element_type3A_97, %cond3A_98 : i32
      scf.if %cond3A_99 {
        %mul3A_182 = arith.constant 40 : i32
        %mul3A_183 = arith.muli %add3A_94, %mul3A_182 : i32
        %add3A_184 = arith.addi %mul3A_4, %mul3A_183 : i32
        %dma_wait3A_185 = arith.constant 1 : i32
        %dma_wait3A_186 = arith.constant 0 : i32
        %dma_wait3A_187 = arith.constant 0 : i32
        %dma_wait3A_188 = tpu.memref_slice %arg6[%dma_wait3A_185, %dma_wait3A_186, %dma_wait3A_187] : memref<4x40x512xf32, #tpu.memory_space<vmem>> -> memref<1x40x512xf32, #tpu.memory_space<vmem>>
        %dma_wait3A_189 = tpu.memref_squeeze %dma_wait3A_188 : memref<1x40x512xf32, #tpu.memory_space<vmem>> -> memref<40x512xf32, #tpu.memory_space<vmem>>
        %dma_wait3A_190 = arith.constant 0 : i32
        %dma_wait3A_191 = tpu.memref_slice %arg4[%add3A_184, %dma_wait3A_190] : memref<204800x512xf32, #tpu.memory_space<hbm>> -> memref<40x512xf32, #tpu.memory_space<hbm>>
        %dma_wait3A_192 = arith.constant 0 : i32
        %dma_wait3A_193 = tpu.memref_slice %arg4[%add3A_184, %dma_wait3A_192] : memref<204800x512xf32, #tpu.memory_space<hbm>> -> memref<40x512xf32, #tpu.memory_space<hbm>>
        %dma_wait3A_194 = arith.constant 0 : i32
        %dma_wait3A_195 = arith.constant 0 : i32
        %dma_wait3A_196 = tpu.memref_slice %arg6[%dma_wait3A_185, %dma_wait3A_194, %dma_wait3A_195] : memref<4x40x512xf32, #tpu.memory_space<vmem>> -> memref<1x40x512xf32, #tpu.memory_space<vmem>>
        %dma_wait3A_197 = tpu.memref_squeeze %dma_wait3A_196 : memref<1x40x512xf32, #tpu.memory_space<vmem>> -> memref<40x512xf32, #tpu.memory_space<vmem>>
        tpu.wait_dma2 semaphore(%arg12 : memref<!tpu.dma_semaphore, #tpu.memory_space<semaphore_mem>>) src(%dma_wait3A_197 : memref<40x512xf32, #tpu.memory_space<vmem>>) dst(%dma_wait3A_193 : memref<40x512xf32, #tpu.memory_space<hbm>>)
      } else {
      }
      %mul3A_100 = arith.constant 40 : i32
      %mul3A_101 = arith.muli %add3A_94, %mul3A_100 : i32
      %add3A_102 = arith.addi %mul3A_4, %mul3A_101 : i32
      %dma_start3A_103 = arith.constant 1 : i32
      %dma_start3A_104 = arith.constant 0 : i32
      %dma_start3A_105 = arith.constant 0 : i32
      %dma_start3A_106 = tpu.memref_slice %arg6[%dma_start3A_103, %dma_start3A_104, %dma_start3A_105] : memref<4x40x512xf32, #tpu.memory_space<vmem>> -> memref<1x40x512xf32, #tpu.memory_space<vmem>>
      %dma_start3A_107 = tpu.memref_squeeze %dma_start3A_106 : memref<1x40x512xf32, #tpu.memory_space<vmem>> -> memref<40x512xf32, #tpu.memory_space<vmem>>
      %dma_start3A_108 = arith.constant 0 : i32
      %dma_start3A_109 = tpu.memref_slice %arg4[%add3A_102, %dma_start3A_108] : memref<204800x512xf32, #tpu.memory_space<hbm>> -> memref<40x512xf32, #tpu.memory_space<hbm>>
      %dma_start3A_110 = arith.constant 0 : i32
      %dma_start3A_111 = tpu.memref_slice %arg4[%add3A_102, %dma_start3A_110] : memref<204800x512xf32, #tpu.memory_space<hbm>> -> memref<40x512xf32, #tpu.memory_space<hbm>>
      %dma_start3A_112 = arith.constant 0 : i32
      %dma_start3A_113 = arith.constant 0 : i32
      %dma_start3A_114 = tpu.memref_slice %arg6[%dma_start3A_103, %dma_start3A_112, %dma_start3A_113] : memref<4x40x512xf32, #tpu.memory_space<vmem>> -> memref<1x40x512xf32, #tpu.memory_space<vmem>>
      %dma_start3A_115 = tpu.memref_squeeze %dma_start3A_114 : memref<1x40x512xf32, #tpu.memory_space<vmem>> -> memref<40x512xf32, #tpu.memory_space<vmem>>
      tpu.enqueue_dma source(%dma_start3A_115 : memref<40x512xf32, #tpu.memory_space<vmem>>) target(%dma_start3A_111 : memref<40x512xf32, #tpu.memory_space<hbm>>) target_semaphore(%arg12 : memref<!tpu.dma_semaphore, #tpu.memory_space<semaphore_mem>>)
      %mul3A_116 = arith.constant 4 : i32
      %mul3A_117 = arith.muli %mul3A_116, %scan3A_69 : i32
      %add3A_118 = arith.constant 2 : i32
      %add3A_119 = arith.addi %mul3A_117, %add3A_118 : i32
      %gt3A_120 = arith.constant 0 : i32
      %gt3A_121 = arith.cmpi sgt, %scan3A_69, %gt3A_120 : i32
      %convert_element_type3A_122 = arith.extui %gt3A_121 : i1 to i32
      %cond3A_123 = arith.constant 0 : i32
      %cond3A_124 = arith.cmpi ne, %convert_element_type3A_122, %cond3A_123 : i32
      scf.if %cond3A_124 {
        %mul3A_182 = arith.constant 40 : i32
        %mul3A_183 = arith.muli %add3A_119, %mul3A_182 : i32
        %add3A_184 = arith.addi %mul3A_4, %mul3A_183 : i32
        %dma_wait3A_185 = arith.constant 2 : i32
        %dma_wait3A_186 = arith.constant 0 : i32
        %dma_wait3A_187 = arith.constant 0 : i32
        %dma_wait3A_188 = tpu.memref_slice %arg6[%dma_wait3A_185, %dma_wait3A_186, %dma_wait3A_187] : memref<4x40x512xf32, #tpu.memory_space<vmem>> -> memref<1x40x512xf32, #tpu.memory_space<vmem>>
        %dma_wait3A_189 = tpu.memref_squeeze %dma_wait3A_188 : memref<1x40x512xf32, #tpu.memory_space<vmem>> -> memref<40x512xf32, #tpu.memory_space<vmem>>
        %dma_wait3A_190 = arith.constant 0 : i32
        %dma_wait3A_191 = tpu.memref_slice %arg4[%add3A_184, %dma_wait3A_190] : memref<204800x512xf32, #tpu.memory_space<hbm>> -> memref<40x512xf32, #tpu.memory_space<hbm>>
        %dma_wait3A_192 = arith.constant 0 : i32
        %dma_wait3A_193 = tpu.memref_slice %arg4[%add3A_184, %dma_wait3A_192] : memref<204800x512xf32, #tpu.memory_space<hbm>> -> memref<40x512xf32, #tpu.memory_space<hbm>>
        %dma_wait3A_194 = arith.constant 0 : i32
        %dma_wait3A_195 = arith.constant 0 : i32
        %dma_wait3A_196 = tpu.memref_slice %arg6[%dma_wait3A_185, %dma_wait3A_194, %dma_wait3A_195] : memref<4x40x512xf32, #tpu.memory_space<vmem>> -> memref<1x40x512xf32, #tpu.memory_space<vmem>>
        %dma_wait3A_197 = tpu.memref_squeeze %dma_wait3A_196 : memref<1x40x512xf32, #tpu.memory_space<vmem>> -> memref<40x512xf32, #tpu.memory_space<vmem>>
        tpu.wait_dma2 semaphore(%arg13 : memref<!tpu.dma_semaphore, #tpu.memory_space<semaphore_mem>>) src(%dma_wait3A_197 : memref<40x512xf32, #tpu.memory_space<vmem>>) dst(%dma_wait3A_193 : memref<40x512xf32, #tpu.memory_space<hbm>>)
      } else {
      }
      %mul3A_125 = arith.constant 40 : i32
      %mul3A_126 = arith.muli %add3A_119, %mul3A_125 : i32
      %add3A_127 = arith.addi %mul3A_4, %mul3A_126 : i32
      %dma_start3A_128 = arith.constant 2 : i32
      %dma_start3A_129 = arith.constant 0 : i32
      %dma_start3A_130 = arith.constant 0 : i32
      %dma_start3A_131 = tpu.memref_slice %arg6[%dma_start3A_128, %dma_start3A_129, %dma_start3A_130] : memref<4x40x512xf32, #tpu.memory_space<vmem>> -> memref<1x40x512xf32, #tpu.memory_space<vmem>>
      %dma_start3A_132 = tpu.memref_squeeze %dma_start3A_131 : memref<1x40x512xf32, #tpu.memory_space<vmem>> -> memref<40x512xf32, #tpu.memory_space<vmem>>
      %dma_start3A_133 = arith.constant 0 : i32
      %dma_start3A_134 = tpu.memref_slice %arg4[%add3A_127, %dma_start3A_133] : memref<204800x512xf32, #tpu.memory_space<hbm>> -> memref<40x512xf32, #tpu.memory_space<hbm>>
      %dma_start3A_135 = arith.constant 0 : i32
      %dma_start3A_136 = tpu.memref_slice %arg4[%add3A_127, %dma_start3A_135] : memref<204800x512xf32, #tpu.memory_space<hbm>> -> memref<40x512xf32, #tpu.memory_space<hbm>>
      %dma_start3A_137 = arith.constant 0 : i32
      %dma_start3A_138 = arith.constant 0 : i32
      %dma_start3A_139 = tpu.memref_slice %arg6[%dma_start3A_128, %dma_start3A_137, %dma_start3A_138] : memref<4x40x512xf32, #tpu.memory_space<vmem>> -> memref<1x40x512xf32, #tpu.memory_space<vmem>>
      %dma_start3A_140 = tpu.memref_squeeze %dma_start3A_139 : memref<1x40x512xf32, #tpu.memory_space<vmem>> -> memref<40x512xf32, #tpu.memory_space<vmem>>
      tpu.enqueue_dma source(%dma_start3A_140 : memref<40x512xf32, #tpu.memory_space<vmem>>) target(%dma_start3A_136 : memref<40x512xf32, #tpu.memory_space<hbm>>) target_semaphore(%arg13 : memref<!tpu.dma_semaphore, #tpu.memory_space<semaphore_mem>>)
      %mul3A_141 = arith.constant 4 : i32
      %mul3A_142 = arith.muli %mul3A_141, %scan3A_69 : i32
      %add3A_143 = arith.constant 3 : i32
      %add3A_144 = arith.addi %mul3A_142, %add3A_143 : i32
      %gt3A_145 = arith.constant 0 : i32
      %gt3A_146 = arith.cmpi sgt, %scan3A_69, %gt3A_145 : i32
      %convert_element_type3A_147 = arith.extui %gt3A_146 : i1 to i32
      %cond3A_148 = arith.constant 0 : i32
      %cond3A_149 = arith.cmpi ne, %convert_element_type3A_147, %cond3A_148 : i32
      scf.if %cond3A_149 {
        %mul3A_182 = arith.constant 40 : i32
        %mul3A_183 = arith.muli %add3A_144, %mul3A_182 : i32
        %add3A_184 = arith.addi %mul3A_4, %mul3A_183 : i32
        %dma_wait3A_185 = arith.constant 3 : i32
        %dma_wait3A_186 = arith.constant 0 : i32
        %dma_wait3A_187 = arith.constant 0 : i32
        %dma_wait3A_188 = tpu.memref_slice %arg6[%dma_wait3A_185, %dma_wait3A_186, %dma_wait3A_187] : memref<4x40x512xf32, #tpu.memory_space<vmem>> -> memref<1x40x512xf32, #tpu.memory_space<vmem>>
        %dma_wait3A_189 = tpu.memref_squeeze %dma_wait3A_188 : memref<1x40x512xf32, #tpu.memory_space<vmem>> -> memref<40x512xf32, #tpu.memory_space<vmem>>
        %dma_wait3A_190 = arith.constant 0 : i32
        %dma_wait3A_191 = tpu.memref_slice %arg4[%add3A_184, %dma_wait3A_190] : memref<204800x512xf32, #tpu.memory_space<hbm>> -> memref<40x512xf32, #tpu.memory_space<hbm>>
        %dma_wait3A_192 = arith.constant 0 : i32
        %dma_wait3A_193 = tpu.memref_slice %arg4[%add3A_184, %dma_wait3A_192] : memref<204800x512xf32, #tpu.memory_space<hbm>> -> memref<40x512xf32, #tpu.memory_space<hbm>>
        %dma_wait3A_194 = arith.constant 0 : i32
        %dma_wait3A_195 = arith.constant 0 : i32
        %dma_wait3A_196 = tpu.memref_slice %arg6[%dma_wait3A_185, %dma_wait3A_194, %dma_wait3A_195] : memref<4x40x512xf32, #tpu.memory_space<vmem>> -> memref<1x40x512xf32, #tpu.memory_space<vmem>>
        %dma_wait3A_197 = tpu.memref_squeeze %dma_wait3A_196 : memref<1x40x512xf32, #tpu.memory_space<vmem>> -> memref<40x512xf32, #tpu.memory_space<vmem>>
        tpu.wait_dma2 semaphore(%arg14 : memref<!tpu.dma_semaphore, #tpu.memory_space<semaphore_mem>>) src(%dma_wait3A_197 : memref<40x512xf32, #tpu.memory_space<vmem>>) dst(%dma_wait3A_193 : memref<40x512xf32, #tpu.memory_space<hbm>>)
      } else {
      }
      %mul3A_150 = arith.constant 40 : i32
      %mul3A_151 = arith.muli %add3A_144, %mul3A_150 : i32
      %add3A_152 = arith.addi %mul3A_4, %mul3A_151 : i32
      %dma_start3A_153 = arith.constant 3 : i32
      %dma_start3A_154 = arith.constant 0 : i32
      %dma_start3A_155 = arith.constant 0 : i32
      %dma_start3A_156 = tpu.memref_slice %arg6[%dma_start3A_153, %dma_start3A_154, %dma_start3A_155] : memref<4x40x512xf32, #tpu.memory_space<vmem>> -> memref<1x40x512xf32, #tpu.memory_space<vmem>>
      %dma_start3A_157 = tpu.memref_squeeze %dma_start3A_156 : memref<1x40x512xf32, #tpu.memory_space<vmem>> -> memref<40x512xf32, #tpu.memory_space<vmem>>
      %dma_start3A_158 = arith.constant 0 : i32
      %dma_start3A_159 = tpu.memref_slice %arg4[%add3A_152, %dma_start3A_158] : memref<204800x512xf32, #tpu.memory_space<hbm>> -> memref<40x512xf32, #tpu.memory_space<hbm>>
      %dma_start3A_160 = arith.constant 0 : i32
      %dma_start3A_161 = tpu.memref_slice %arg4[%add3A_152, %dma_start3A_160] : memref<204800x512xf32, #tpu.memory_space<hbm>> -> memref<40x512xf32, #tpu.memory_space<hbm>>
      %dma_start3A_162 = arith.constant 0 : i32
      %dma_start3A_163 = arith.constant 0 : i32
      %dma_start3A_164 = tpu.memref_slice %arg6[%dma_start3A_153, %dma_start3A_162, %dma_start3A_163] : memref<4x40x512xf32, #tpu.memory_space<vmem>> -> memref<1x40x512xf32, #tpu.memory_space<vmem>>
      %dma_start3A_165 = tpu.memref_squeeze %dma_start3A_164 : memref<1x40x512xf32, #tpu.memory_space<vmem>> -> memref<40x512xf32, #tpu.memory_space<vmem>>
      tpu.enqueue_dma source(%dma_start3A_165 : memref<40x512xf32, #tpu.memory_space<vmem>>) target(%dma_start3A_161 : memref<40x512xf32, #tpu.memory_space<hbm>>) target_semaphore(%arg14 : memref<!tpu.dma_semaphore, #tpu.memory_space<semaphore_mem>>)
      %mul3A_166 = arith.constant 4 : i32
      %mul3A_167 = arith.muli %mul3A_166, %scan3A_69 : i32
      %add3A_168 = arith.constant 0 : i32
      %add3A_169 = arith.addi %mul3A_167, %add3A_168 : i32
      %mul3A_170 = arith.constant 4 : i32
      %mul3A_171 = arith.muli %mul3A_170, %scan3A_69 : i32
      %add3A_172 = arith.constant 1 : i32
      %add3A_173 = arith.addi %mul3A_171, %add3A_172 : i32
      %mul3A_174 = arith.constant 4 : i32
      %mul3A_175 = arith.muli %mul3A_174, %scan3A_69 : i32
      %add3A_176 = arith.constant 2 : i32
      %add3A_177 = arith.addi %mul3A_175, %add3A_176 : i32
      %mul3A_178 = arith.constant 4 : i32
      %mul3A_179 = arith.muli %mul3A_178, %scan3A_69 : i32
      %add3A_180 = arith.constant 3 : i32
      %add3A_181 = arith.addi %mul3A_179, %add3A_180 : i32
    }
    %scan3A_9 = arith.constant 40 : i32
    %add3A_10 = arith.constant 6240 : i32
    %add3A_11 = arith.addi %mul3A_4, %add3A_10 : i32
    %dma_wait3A = arith.constant 0 : i32
    %dma_wait3A_12 = arith.constant 0 : i32
    %dma_wait3A_13 = arith.constant 0 : i32
    %dma_wait3A_14 = tpu.memref_slice %arg6[%dma_wait3A, %dma_wait3A_12, %dma_wait3A_13] : memref<4x40x512xf32, #tpu.memory_space<vmem>> -> memref<1x40x512xf32, #tpu.memory_space<vmem>>
    %dma_wait3A_15 = tpu.memref_squeeze %dma_wait3A_14 : memref<1x40x512xf32, #tpu.memory_space<vmem>> -> memref<40x512xf32, #tpu.memory_space<vmem>>
    %dma_wait3A_16 = arith.constant 0 : i32
    %dma_wait3A_17 = tpu.memref_slice %arg4[%add3A_11, %dma_wait3A_16] : memref<204800x512xf32, #tpu.memory_space<hbm>> -> memref<40x512xf32, #tpu.memory_space<hbm>>
    %dma_wait3A_18 = arith.constant 0 : i32
    %dma_wait3A_19 = tpu.memref_slice %arg4[%add3A_11, %dma_wait3A_18] : memref<204800x512xf32, #tpu.memory_space<hbm>> -> memref<40x512xf32, #tpu.memory_space<hbm>>
    %dma_wait3A_20 = arith.constant 0 : i32
    %dma_wait3A_21 = arith.constant 0 : i32
    %dma_wait3A_22 = tpu.memref_slice %arg6[%dma_wait3A, %dma_wait3A_20, %dma_wait3A_21] : memref<4x40x512xf32, #tpu.memory_space<vmem>> -> memref<1x40x512xf32, #tpu.memory_space<vmem>>
    %dma_wait3A_23 = tpu.memref_squeeze %dma_wait3A_22 : memref<1x40x512xf32, #tpu.memory_space<vmem>> -> memref<40x512xf32, #tpu.memory_space<vmem>>
    tpu.wait_dma2 semaphore(%arg11 : memref<!tpu.dma_semaphore, #tpu.memory_space<semaphore_mem>>) src(%dma_wait3A_23 : memref<40x512xf32, #tpu.memory_space<vmem>>) dst(%dma_wait3A_19 : memref<40x512xf32, #tpu.memory_space<hbm>>)
    %add3A_24 = arith.constant 6280 : i32
    %add3A_25 = arith.addi %mul3A_4, %add3A_24 : i32
    %dma_wait3A_26 = arith.constant 1 : i32
    %dma_wait3A_27 = arith.constant 0 : i32
    %dma_wait3A_28 = arith.constant 0 : i32
    %dma_wait3A_29 = tpu.memref_slice %arg6[%dma_wait3A_26, %dma_wait3A_27, %dma_wait3A_28] : memref<4x40x512xf32, #tpu.memory_space<vmem>> -> memref<1x40x512xf32, #tpu.memory_space<vmem>>
    %dma_wait3A_30 = tpu.memref_squeeze %dma_wait3A_29 : memref<1x40x512xf32, #tpu.memory_space<vmem>> -> memref<40x512xf32, #tpu.memory_space<vmem>>
    %dma_wait3A_31 = arith.constant 0 : i32
    %dma_wait3A_32 = tpu.memref_slice %arg4[%add3A_25, %dma_wait3A_31] : memref<204800x512xf32, #tpu.memory_space<hbm>> -> memref<40x512xf32, #tpu.memory_space<hbm>>
    %dma_wait3A_33 = arith.constant 0 : i32
    %dma_wait3A_34 = tpu.memref_slice %arg4[%add3A_25, %dma_wait3A_33] : memref<204800x512xf32, #tpu.memory_space<hbm>> -> memref<40x512xf32, #tpu.memory_space<hbm>>
    %dma_wait3A_35 = arith.constant 0 : i32
    %dma_wait3A_36 = arith.constant 0 : i32
    %dma_wait3A_37 = tpu.memref_slice %arg6[%dma_wait3A_26, %dma_wait3A_35, %dma_wait3A_36] : memref<4x40x512xf32, #tpu.memory_space<vmem>> -> memref<1x40x512xf32, #tpu.memory_space<vmem>>
    %dma_wait3A_38 = tpu.memref_squeeze %dma_wait3A_37 : memref<1x40x512xf32, #tpu.memory_space<vmem>> -> memref<40x512xf32, #tpu.memory_space<vmem>>
    tpu.wait_dma2 semaphore(%arg12 : memref<!tpu.dma_semaphore, #tpu.memory_space<semaphore_mem>>) src(%dma_wait3A_38 : memref<40x512xf32, #tpu.memory_space<vmem>>) dst(%dma_wait3A_34 : memref<40x512xf32, #tpu.memory_space<hbm>>)
    %add3A_39 = arith.constant 6320 : i32
    %add3A_40 = arith.addi %mul3A_4, %add3A_39 : i32
    %dma_wait3A_41 = arith.constant 2 : i32
    %dma_wait3A_42 = arith.constant 0 : i32
    %dma_wait3A_43 = arith.constant 0 : i32
    %dma_wait3A_44 = tpu.memref_slice %arg6[%dma_wait3A_41, %dma_wait3A_42, %dma_wait3A_43] : memref<4x40x512xf32, #tpu.memory_space<vmem>> -> memref<1x40x512xf32, #tpu.memory_space<vmem>>
    %dma_wait3A_45 = tpu.memref_squeeze %dma_wait3A_44 : memref<1x40x512xf32, #tpu.memory_space<vmem>> -> memref<40x512xf32, #tpu.memory_space<vmem>>
    %dma_wait3A_46 = arith.constant 0 : i32
    %dma_wait3A_47 = tpu.memref_slice %arg4[%add3A_40, %dma_wait3A_46] : memref<204800x512xf32, #tpu.memory_space<hbm>> -> memref<40x512xf32, #tpu.memory_space<hbm>>
    %dma_wait3A_48 = arith.constant 0 : i32
    %dma_wait3A_49 = tpu.memref_slice %arg4[%add3A_40, %dma_wait3A_48] : memref<204800x512xf32, #tpu.memory_space<hbm>> -> memref<40x512xf32, #tpu.memory_space<hbm>>
    %dma_wait3A_50 = arith.constant 0 : i32
    %dma_wait3A_51 = arith.constant 0 : i32
    %dma_wait3A_52 = tpu.memref_slice %arg6[%dma_wait3A_41, %dma_wait3A_50, %dma_wait3A_51] : memref<4x40x512xf32, #tpu.memory_space<vmem>> -> memref<1x40x512xf32, #tpu.memory_space<vmem>>
    %dma_wait3A_53 = tpu.memref_squeeze %dma_wait3A_52 : memref<1x40x512xf32, #tpu.memory_space<vmem>> -> memref<40x512xf32, #tpu.memory_space<vmem>>
    tpu.wait_dma2 semaphore(%arg13 : memref<!tpu.dma_semaphore, #tpu.memory_space<semaphore_mem>>) src(%dma_wait3A_53 : memref<40x512xf32, #tpu.memory_space<vmem>>) dst(%dma_wait3A_49 : memref<40x512xf32, #tpu.memory_space<hbm>>)
    %add3A_54 = arith.constant 6360 : i32
    %add3A_55 = arith.addi %mul3A_4, %add3A_54 : i32
    %dma_wait3A_56 = arith.constant 3 : i32
    %dma_wait3A_57 = arith.constant 0 : i32
    %dma_wait3A_58 = arith.constant 0 : i32
    %dma_wait3A_59 = tpu.memref_slice %arg6[%dma_wait3A_56, %dma_wait3A_57, %dma_wait3A_58] : memref<4x40x512xf32, #tpu.memory_space<vmem>> -> memref<1x40x512xf32, #tpu.memory_space<vmem>>
    %dma_wait3A_60 = tpu.memref_squeeze %dma_wait3A_59 : memref<1x40x512xf32, #tpu.memory_space<vmem>> -> memref<40x512xf32, #tpu.memory_space<vmem>>
    %dma_wait3A_61 = arith.constant 0 : i32
    %dma_wait3A_62 = tpu.memref_slice %arg4[%add3A_55, %dma_wait3A_61] : memref<204800x512xf32, #tpu.memory_space<hbm>> -> memref<40x512xf32, #tpu.memory_space<hbm>>
    %dma_wait3A_63 = arith.constant 0 : i32
    %dma_wait3A_64 = tpu.memref_slice %arg4[%add3A_55, %dma_wait3A_63] : memref<204800x512xf32, #tpu.memory_space<hbm>> -> memref<40x512xf32, #tpu.memory_space<hbm>>
    %dma_wait3A_65 = arith.constant 0 : i32
    %dma_wait3A_66 = arith.constant 0 : i32
    %dma_wait3A_67 = tpu.memref_slice %arg6[%dma_wait3A_56, %dma_wait3A_65, %dma_wait3A_66] : memref<4x40x512xf32, #tpu.memory_space<vmem>> -> memref<1x40x512xf32, #tpu.memory_space<vmem>>
    %dma_wait3A_68 = tpu.memref_squeeze %dma_wait3A_67 : memref<1x40x512xf32, #tpu.memory_space<vmem>> -> memref<40x512xf32, #tpu.memory_space<vmem>>
    tpu.wait_dma2 semaphore(%arg14 : memref<!tpu.dma_semaphore, #tpu.memory_space<semaphore_mem>>) src(%dma_wait3A_68 : memref<40x512xf32, #tpu.memory_space<vmem>>) dst(%dma_wait3A_64 : memref<40x512xf32, #tpu.memory_space<hbm>>)
    return
  }
}

</mosaic_0001>

<sc_bundles>
// kernel: _sc_gather.3.cloned.1.call-start
scs
__scs_entry_jumppad:
0x0: {  	(pc) =	sbr.rel $0x88, $3  }
0x1: {  	(tag) =	ssettag $0x0;
	lr =	simm.s32 $0x1  }
0x2: {  	[smem:$0x3F9F] =	sst lr;
	_ =	strace $0xD0000000  }
0x3: {  	_ = 	snop  }
0x4: {  	_ = 	snop  }
0x5: {  	_ = 	snop  }
0x6: {  	_ = 	snop  }
0x7: {  	_ = 	snop  }
__scs_overlays_trampoline_lowered:
0x8: {  	[smem:$0x3FAE] =	sst s0  }
0x9: {  	[smem:$0x3FAF] =	sst s1  }
0xa: {  	[smem:$0x3FB0] =	sst s2  }
0xb: {  	[smem:$0x3FB1] =	sst s3  }
0xc: {  	[smem:$0x3FB2] =	sst s4  }
0xd: {  	[smem:$0x3FB3] =	sst s5  }
0xe: {  	[smem:$0x3FB4] =	sst s6  }
0xf: {  	[smem:$0x3FB5] =	sst s7  }
0x10: {  	[smem:$0x3FB6] =	sst s8  }
0x11: {  	[smem:$0x3FB7] =	sst s9;
	s0 =	simm.s32 @!p0 $0x0  }
0x12: {  	s1 =	sld [smem:$0x3F9D];
	s0 =	simm.s32 @p0 $0x1  }
0x13: {  	[smem:$0x3FB8] =	sst s0;
	s0 =	simm.s32 @!p1 $0x0  }
0x14: {  	s2 =	sld [smem:$0x3F9C];
	s0 =	simm.s32 @p1 $0x1  }
0x15: {  	[smem:$0x3FB9] =	sst s0;
	s0 =	simm.s32 @!p2 $0x0  }
0x16: {  	s3 =	sld [smem:$0x3FDB];
	s0 =	simm.s32 @p2 $0x1  }
0x17: {  	s4 =	simm.s32 $0x1BF5;
	[smem:$0x3FBB] =	sst s0  }
0x18: {  	s0 =	sld [smem:$0x3F9E];
	_ =	swait.ge [sflag:s4], $0x0  }
0x19: {  	s7 =	sld [smem:$0x3F9F]  }
0x1a: {  	s8 =	sadd.s32 $0xFFFFE003, lr  }
0x1b: {  	s9 =	sadd.s32 $0xFFFFFEF7, lr;
	s5 =	simm.s32 $0xFFFFFFFF;
	p2 =	slt.u32 s8, $0xFFFFF086  }
0x1c: {  	p1 =	slt.u32 s9, $0xF7A;
	s5 =	simm.s32 @!p2 $0x0  }
0x1d: {  	s5 =	simm.s32 @p1 $0x1;
	p0 =	seq.s32 s7, s2  }
0x1e: {  	s7 =	smul.u32 @!p0 $0xF7A, s2;
	p2 =	seq.s32 @!p0 s5, $0x0  }
0x1f: {  	s9 =	smul.u32 $0xF7A, s1;
	s8 =	simm.s32 @!p0 $0x1BF5;
	p2 =	por !p2, p0  }
0x20: {  	[sflag:s8] =	ssyncset.s32 @!p0 $0xFFFFF086;
	s6 =	sadd.s32 @!p0 s3, s7;
	s7 =	simm.s32 @!p0 $0x108  }
0x21: {  	s3 =	sadd.s32 s3, s9;
	s6 =	sadd.s32 @!p0 $0x88, s6;
	s7 =	simm.s32 @p2 $0x1082  }
0x22: {  	[simem:s7], [sflag:s8] =	dma.local @!p0 [hbm:s6], $0xF7A  }
0x23: {  	s9 =	sor.u32 $0xD0000000, s2;
	s6 =	simm.s32 $0x108;
	_ =	swait.ge @!p0 [sflag:s8], $0x0  }
0x24: {  	s3 =	sadd.s32 $0x88, s3;
	s6 =	simm.s32 @!p1 $0x1082;
	[sflag:s4] =	ssyncset.s32 $0xFFFFF086  }
0x25: {  	[simem:s6], [sflag:s4] =	dma.local [hbm:s3], $0xF7A  }
0x26: {  	[smem:$0x3F9F] =	sst s1;
	(tag) =	ssettag s2;
	_ =	strace s9  }
0x27: {  	s1 =	sld [smem:$0x3FAF]  }
0x28: {  	s2 =	sld [smem:$0x3FB0]  }
0x29: {  	s4 =	sld [smem:$0x3FB2]  }
0x2a: {  	p0 =	seq.s32 s5, $0x0;
	s5 =	sld [smem:$0x3FB3]  }
0x2b: {  	s6 =	sld [smem:$0x3FB4]  }
0x2c: {  	s7 =	sld [smem:$0x3FB5]  }
0x2d: {  	s3 =	simm.s32 $0x108;
	s8 =	sld [smem:$0x3FB6]  }
0x2e: {  	s3 =	simm.s32 @!p0 $0x1082;
	s9 =	sld [smem:$0x3FB7]  }
0x2f: {  	lr =	sadd.s32 s0, s3;
	s0 =	sld [smem:$0x3FAE]  }
0x30: {  	s3 =	sld [smem:$0x3FB1]  }
0x31: {  	[smem:$0x3FBA] =	sst s10  }
0x32: {  	s10 =	sld [smem:$0x3FB8];
	_ =	sdelay $0x3  }
0x33: {  	p0 =	seq.s32 s10, $0x1;
	s10 =	sld [smem:$0x3FBA];
	_ =	sdelay $0x3  }
0x34: {  	[smem:$0x3FBA] =	sst s10  }
0x35: {  	s10 =	sld [smem:$0x3FB9];
	_ =	sdelay $0x3  }
0x36: {  	p1 =	seq.s32 s10, $0x1;
	s10 =	sld [smem:$0x3FBA];
	_ =	sdelay $0x3  }
0x37: {  	[smem:$0x3FBA] =	sst s10  }
0x38: {  	s10 =	sld [smem:$0x3FBB]  }
0x39: {  	_ = 	snop;
	(pc) =	sbr.ind lr, $3  }
0x3a: {  	_ = 	snop  }
0x3b: {  	_ = 	snop  }
0x3c: {  	p2 =	seq.s32 s10, $0x1;
	s10 =	sld [smem:$0x3FBA]  }
0x3d: {  	_ =	shalt  }
0x3e: {  	_ =	shalt  }
0x3f: {  	_ =	shalt  }
0x40: {  	_ =	shalt  }
0x41: {  	_ =	shalt  }
0x42: {  	_ =	shalt  }
0x43: {  	_ =	shalt  }
0x44: {  	_ =	shalt  }
0x45: {  	_ =	shalt  }
0x46: {  	_ =	shalt  }
0x47: {  	_ =	shalt  }
0x48: {  	_ =	shalt  }
0x49: {  	_ =	shalt  }
0x4a: {  	_ =	shalt  }
0x4b: {  	_ =	shalt  }
0x4c: {  	_ =	shalt  }
0x4d: {  	_ =	shalt  }
0x4e: {  	_ =	shalt  }
0x4f: {  	_ =	shalt  }
0x50: {  	_ =	shalt  }
0x51: {  	_ =	shalt  }
0x52: {  	_ =	shalt  }
0x53: {  	_ =	shalt  }
0x54: {  	_ =	shalt  }
0x55: {  	_ =	shalt  }
0x56: {  	_ =	shalt  }
0x57: {  	_ =	shalt  }
0x58: {  	_ =	shalt  }
0x59: {  	_ =	shalt  }
0x5a: {  	_ =	shalt  }
0x5b: {  	_ =	shalt  }
0x5c: {  	_ =	shalt  }
0x5d: {  	_ =	shalt  }
0x5e: {  	_ =	shalt  }
0x5f: {  	_ =	shalt  }
0x60: {  	_ =	shalt  }
0x61: {  	_ =	shalt  }
0x62: {  	_ =	shalt  }
0x63: {  	_ =	shalt  }
0x64: {  	_ =	shalt  }
0x65: {  	_ =	shalt  }
0x66: {  	_ =	shalt  }
0x67: {  	_ =	shalt  }
0x68: {  	_ =	shalt  }
0x69: {  	_ =	shalt  }
0x6a: {  	_ =	shalt  }
0x6b: {  	_ =	shalt  }
0x6c: {  	_ =	shalt  }
0x6d: {  	_ =	shalt  }
0x6e: {  	_ =	shalt  }
0x6f: {  	_ =	shalt  }
0x70: {  	_ =	shalt  }
0x71: {  	_ =	shalt  }
0x72: {  	_ =	shalt  }
0x73: {  	_ =	shalt  }
0x74: {  	_ =	shalt  }
0x75: {  	_ =	shalt  }
0x76: {  	_ =	shalt  }
0x77: {  	_ =	shalt  }
0x78: {  	_ =	shalt  }
0x79: {  	_ =	shalt  }
0x7a: {  	_ =	shalt  }
0x7b: {  	_ =	shalt  }
0x7c: {  	_ =	shalt  }
0x7d: {  	_ =	shalt  }
0x7e: {  	_ =	shalt  }
0x7f: {  	_ =	shalt  }
0x80: {  	_ =	shalt  }
0x81: {  	_ =	shalt  }
0x82: {  	_ =	shalt  }
0x83: {  	_ =	shalt  }
0x84: {  	_ =	shalt  }
0x85: {  	_ =	shalt  }
0x86: {  	_ =	shalt  }
0x87: {  	_ =	shalt  }
.Lfunc_end0:
.L_simem_size_0:
called_computation_lowered:
.L_overlay_start_0:
0x88: {  	s2 =	sld [smem:$0x3FD9]  }
0x89: {  	s3 =	sld [smem:$0x3FFE];
	_ =	sdelay $0x1  }
0x8a: {  	s1 =	srdreg.scid  }
0x8b: {  	s0 =	sand.u32 $0x1, s1  }
0x8c: {  	s17 =	sshll.u32 s0, $0xA;
	s2 =	sadd.s32 s3, s2  }
0x8d: {  	s2 =	sadd.s32 s2, s17  }
0x8e: {  	[smem:$0x3FC6] =	sst s2  }
0x8f: {  	_ = 	snop  }
0x90: {  	s2 =	sld [smem:$0x3FD0];
	(tm) =	ssettm $0x1  }
0x91: {  	s18 =	sld [smem:$0x3FFB];
	_ =	sdelay $0x3  }
0x92: {  	_ =	strace s18  }
0x93: {  	s3 =	sld [smem:$0x3FFC];
	_ =	sdelay $0x3  }
0x94: {  	_ =	strace s3  }
0x95: {  	s3 =	sld [smem:$0x3FFD];
	_ =	sdelay $0x3  }
0x96: {  	_ =	strace s3  }
0x97: {  	_ =	strace $0x8FFFFFFF  }
0x98: {  	s19 =	sld [smem:$0x3FDB];
	_ =	sdelay $0x1  }
0x99: {  	s4 =	simm.s32 $_scs_section_size  }
0x9a: {  	s5 =	simm.s32 $_size__tile_overlayer_lowered;
	s6 =	simm.s32 $_tile_overlayer_lowered  }
0x9b: {  	s22 =	simm.s32 $0x1BFF;
	s21 =	sshll.u32 s6, $0x1;
	s3 =	sadd.s32 s4, s19  }
0x9c: {  	s7 =	simm.s32 $0x0;
	s20 =	sshll.u32 s5, $0x1;
	s5 =	sadd.s32 s21, s3  }
0x9d: {  	[timem:s7], [sflag:s22] =	dma.local [hbm:s5], s20  }
0x9e: {  	_ =	swait.ge [sflag:s22], s20  }
0x9f: {  	s4 =	ssub.s32 $0x0, s20;
	[sflag:s22] =	ssyncset.done $0x0  }
0xa0: {  	[sflag:s22] =	ssyncadd.s32 s4;
	_ =	sdelay $0x1  }
0xa1: {  	s23 =	simm.s32 $0x1B8B  }
0xa2: {  	_ =	swait.ge [sflag:s23], $0x1  }
0xa3: {  	[sflag:s23] =	ssyncset.done $0x0  }
0xa4: {  	s25 =	simm.s32 $0x1B8E;
	s24 =	sld [smem:$0x3FFE];
	[sflag:s23] =	ssyncadd.s32 $0xFFFFFFFF  }
0xa5: {  	s26 =	simm.s32 $execute0_lowered;
	[smem:$0x3FD2] =	sst s25  }
0xa6: {  	s5 =	sshll.u32 s26, $0x1;
	_ =	strace $0x80000046;
	[dreg:$0x1] =	wrdreg $0xFFFFFFFF  }
0xa7: {  	s28 =	simm.s32 $_size_execute0_lowered;
	s3 =	sadd.s32 s3, s5;
	[dreg:$0x0] =	wrdreg $0x0  }
0xa8: {  	s5 =	sshll.u32 s28, $0x1;
	[dreg:$0x2] =	wrdreg s3  }
0xa9: {  	[dreg:$0x3] =	wrdreg s5  }
0xaa: {  	[dreg:$0x4] =	wrdreg $0xC0  }
0xab: {  	_ =	task [dreg:s7], $0x5FFFF  }
0xac: {  	[dreg:$0x1] =	wrdreg $0xFFFFFFFF  }
0xad: {  	[dreg:$0x0] =	wrdreg $0x60  }
0xae: {  	[dreg:$0x2] =	wrdreg s24  }
0xaf: {  	[dreg:$0x3] =	wrdreg s2  }
0xb0: {  	[dreg:$0x4] =	wrdreg $0x9  }
0xb1: {  	_ =	task.clear_ibuf [dreg:s7], $0x5FFFF;
	_ =	strace $0x90000046  }
0xb2: {  	s29 =	simm.s32 $0x9;
	_ =	strace $0x80000048  }
0xb3: {  	_ =	swait.ge [sflag:s29], $0x1  }
0xb4: {  	[sflag:s29] =	ssyncadd.s32 $0xFFFFFFFF  }
0xb5: {  	_ =	strace $0x90000048  }
0xb6: {  	_ =	sfence  }
0xb7: {  	s30 =	sld [smem:$0x0];
	_ =	sdelay $0x2  }
0xb8: {  	s31 =	sshll.u32 s1, $0xD;
	s1 =	sshrl.u32 s1, $0x2  }
0xb9: {  	s3 =	sand.u32 $0x4000, s31;
	s1 =	sadd.s32 s1, s30  }
0xba: {  	s0 =	sor.u32 s3, s0;
	s1 =	sshll.u32 s1, $0x11  }
0xbb: {  	s0 =	sor.u32 s1, s0  }
0xbc: {  	s0 =	sadd.s32 $0x8F2B, s0  }
0xbd: {  	[sflag:s0] =	ssyncadd.remote.s32 $0x1  }
0xbe: {  	_ =	sfence.sel $0xFFFF  }
0xbf: {  	[dreg:$0x0] =	wrdreg $0xFFFFFFFF;
	(pc) =	sbr.abs _section_cstart, $3  }
0xc0: {  	[dreg:$0x1] =	wrdreg $0xFFFFFFFF  }
0xc1: {  	_ =	task.clear_ibuf [dreg:s7], $0x2FFFF;
	_ =	strace $0x9FFFFFFF  }
0xc2: {  	(tm) =	ssettm $0x7FFFFFFF  }
0xc3: {  	_ =	shalt  }
tec
execute0_lowered:
.L_overlay_start_1:
0x0: {  	(tag) =	ssettag $0x1  }
0x1: {  	s1 =	srdreg.scid;
	s3 =	rddreg [dreg:$0x0]  }
0x2: {  	s0 =	stileid.u32;
	s8 =	rddreg [dreg:$0x1]  }
0x3: {  	s2 =	simm.s32 $0x0;
	s11 =	simm.s32 $0x5000;
	s12 =	simm.s32 $0xA000  }
0x4: {  	s13 =	simm.s32 $0xF000;
	s14 =	simm.s32 $0x14000;
	s15 =	simm.s32 $0x1  }
0x5: {  	s16 =	simm.s32 $0x2;
	s17 =	simm.s32 $0x3;
	s18 =	simm.s32 $0x4  }
0x6: {  	s19 =	simm.s32 $0x0;
	s6 =	sand.u32 $0x1, s1;
	s1 =	rddreg [dreg:$0x2]  }
0x7: {  	s30 =	sshll.u32 s0, $0x1;
	[smem:$0x7FF] =	sst s2;
	s9 =	smul.u32 $0xC8000, s0  }
0x8: {  	s4 =	sor.u32 s6, s30;
	s7 =	ssub.s32 $0x2, s6;
	s10 =	smul.u32 $0x64000, s6  }
0x9: {  	_ =	strace $0x80000047;
	s5 =	smul.u32 $0xA00, s4;
	s31 =	sshrl.u32 s7, $0x1  }
0xa: {  	s4 =	smul.u32 $0x64000, s4;
	s9 =	sadd.s32 s9, s8;
	s7 =	ssub.s32 s7, s31  }
0xb: {  	s9 =	sadd.s32 s10, s9;
	s10 =	simm.s32 $0x5;
	s5 =	sadd.s32 s5, s3  }
0xc: {  	s3 =	sadd.s32 s8, s4;
	s6 =	smax.u32 s7, $0x1;
	s4 =	sadd.s32 $0x400, s5  }
0xd: {  	s5 =	sadd.s32 $0xA00, s3;
	s7 =	sadd.s32 $0x1400, s3;
	s8 =	sadd.s32 $0x1E00, s3  }
.LBB2_1:
0xe: {  	[tilespmem:s2], [sflag:$0x5] =	stream.linear.gather [hbm4b:s4+s2], $0x5000, $0x38;
	[tilespmem:$0x19000] =	vst v63  }
0xf: {  	_ =	swait.ge [sflag:s10], $0x5000  }
0x10: {  	[sflag:s10] =	ssyncset.done $0x0  }
0x11: {  	[sflag:s10] =	ssyncadd.s32 $0xFFFFB000  }
0x12: {  	[hbm4b:s3+s2] =	stream.linear.scatter [tilespmem:s11], [sflag:$0x1], $0x5000, $0x38;
	[tilespmem:$0x19000] =	vst v63  }
0x13: {  	_ = 	snop  }
0x14: {  	[hbm4b:s5+s2] =	stream.linear.scatter [tilespmem:s12], [sflag:$0x2], $0x5000, $0x38;
	[tilespmem:$0x19000] =	vst v63  }
0x15: {  	_ = 	snop  }
0x16: {  	[hbm4b:s7+s2] =	stream.linear.scatter [tilespmem:s13], [sflag:$0x3], $0x5000, $0x38;
	[tilespmem:$0x19000] =	vst v63  }
0x17: {  	_ = 	snop  }
0x18: {  	[hbm4b:s8+s2] =	stream.linear.scatter [tilespmem:s14], [sflag:$0x4], $0x5000, $0x38;
	[tilespmem:$0x19000] =	vst v63  }
0x19: {  	_ =	swait.ge [sflag:s15], $0x5000  }
0x1a: {  	s21 =	sadd.s32 $0x0, s9;
	[sflag:s15] =	ssyncset.done $0x0  }
0x1b: {  	s20 =	sadd.s32 $0x2800, s21;
	[sflag:s15] =	ssyncadd.s32 $0xFFFFB000  }
0x1c: {  	[hbm4b:s20+s2] =	stream.linear.scatter [tilespmem:s11], [sflag:$0x1], $0x5000, $0x38;
	[tilespmem:$0x19000] =	vst v63  }
0x1d: {  	_ =	swait.ge [sflag:s16], $0x5000  }
0x1e: {  	[sflag:s16] =	ssyncset.done $0x0  }
0x1f: {  	s30 =	sadd.s32 $0x3200, s21;
	[sflag:s16] =	ssyncadd.s32 $0xFFFFB000  }
0x20: {  	[hbm4b:s30+s2] =	stream.linear.scatter [tilespmem:s12], [sflag:$0x2], $0x5000, $0x38;
	[tilespmem:$0x19000] =	vst v63  }
0x21: {  	_ =	swait.ge [sflag:s17], $0x5000  }
0x22: {  	[sflag:s17] =	ssyncset.done $0x0  }
0x23: {  	s31 =	sadd.s32 $0x3C00, s21;
	[sflag:s17] =	ssyncadd.s32 $0xFFFFB000  }
0x24: {  	[hbm4b:s31+s2] =	stream.linear.scatter [tilespmem:s13], [sflag:$0x3], $0x5000, $0x38;
	[tilespmem:$0x19000] =	vst v63  }
0x25: {  	_ =	swait.ge [sflag:s18], $0x5000  }
0x26: {  	[sflag:s18] =	ssyncset.done $0x0  }
0x27: {  	s21 =	sadd.s32 $0x4600, s21;
	s20 =	simm.s32 $0x2800;
	[sflag:s18] =	ssyncadd.s32 $0xFFFFB000  }
.LBB2_2:
0x28: {  	[hbm4b:s21+s2] =	stream.linear.scatter [tilespmem:s14], [sflag:$0x4], $0x5000, $0x38;
	[tilespmem:$0x19000] =	vst v63  }
0x29: {  	s21 =	smov.u32 s20  }
0x2a: {  	p0 =	sne.s32 s20, $0x5F000;
	s20 =	sadd.s32 $0x2800, s20;
	_ =	swait.ge [sflag:s15], $0x5000  }
0x2b: {  	s21 =	sadd.s32 s21, s9;
	[sflag:s15] =	ssyncset.done $0x0  }
0x2c: {  	s22 =	sadd.s32 $0x2800, s21;
	[sflag:s15] =	ssyncadd.s32 $0xFFFFB000  }
0x2d: {  	[hbm4b:s22+s2] =	stream.linear.scatter [tilespmem:s11], [sflag:$0x1], $0x5000, $0x38;
	[tilespmem:$0x19000] =	vst v63  }
0x2e: {  	_ =	swait.ge [sflag:s16], $0x5000  }
0x2f: {  	[sflag:s16] =	ssyncset.done $0x0  }
0x30: {  	s22 =	sadd.s32 $0x3200, s21;
	[sflag:s16] =	ssyncadd.s32 $0xFFFFB000  }
0x31: {  	[hbm4b:s22+s2] =	stream.linear.scatter [tilespmem:s12], [sflag:$0x2], $0x5000, $0x38;
	[tilespmem:$0x19000] =	vst v63  }
0x32: {  	_ =	swait.ge [sflag:s17], $0x5000  }
0x33: {  	[sflag:s17] =	ssyncset.done $0x0  }
.Ltmp0:
0x34: {  	s22 =	sadd.s32 $0x3C00, s21;
	[sflag:s17] =	ssyncadd.s32 $0xFFFFB000;
	(pc) =	sbr.rel @p0 .LBB2_2-.Ltmp0, $4  }
0x35: {  	[hbm4b:s22+s2] =	stream.linear.scatter [tilespmem:s13], [sflag:$0x3], $0x5000, $0x38;
	[tilespmem:$0x19000] =	vst v63  }
0x36: {  	_ =	swait.ge [sflag:s18], $0x5000  }
0x37: {  	[sflag:s18] =	ssyncset.done $0x0  }
0x38: {  	s21 =	sadd.s32 $0x4600, s21;
	[sflag:s18] =	ssyncadd.s32 $0xFFFFB000  }
0x39: {  	[hbm4b:s21+s2] =	stream.linear.scatter [tilespmem:s14], [sflag:$0x4], $0x5000, $0x38;
	[tilespmem:$0x19000] =	vst v63  }
0x3a: {  	_ =	swait.ge [sflag:s15], $0x5000  }
0x3b: {  	[sflag:s15] =	ssyncset.done $0x0  }
0x3c: {  	[sflag:s15] =	ssyncadd.s32 $0xFFFFB000  }
0x3d: {  	_ =	swait.ge [sflag:s16], $0x5000  }
0x3e: {  	[sflag:s16] =	ssyncset.done $0x0  }
0x3f: {  	s19 =	sadd.s32 $0x1, s19;
	[sflag:s16] =	ssyncadd.s32 $0xFFFFB000  }
0x40: {  	p0 =	sne.s32 s19, s6;
	_ =	swait.ge [sflag:s17], $0x5000  }
.Ltmp1:
0x41: {  	[sflag:s17] =	ssyncset.done $0x0;
	(pc) =	sbr.rel @p0 .LBB2_1-.Ltmp1, $4  }
0x42: {  	[sflag:s17] =	ssyncadd.s32 $0xFFFFB000  }
0x43: {  	_ =	swait.ge [sflag:s18], $0x5000  }
0x44: {  	[sflag:s18] =	ssyncset.done $0x0  }
0x45: {  	[sflag:s18] =	ssyncadd.s32 $0xFFFFB000  }
0x46: {  	_ =	sfence.sel $0x180000  }
0x47: {  	[bflag:$0x0] =	sbarrier.arrive $0xFFFF  }
0x48: {  	p0 =	sne.s32 s0, $0x0;
	_ =	strace $0x90000047  }
0x49: {  	s0 =	sadd.s32 @!p0 $0x100000, s1;
	[bflag:$0x2] =	sbarrier.arrive $0xFFFF  }
0x4a: {  	[sflag:s0] =	ssyncadd.tile.s32 @!p0 $0x1;
	_ =	shalt  }
.Lfunc_end2:
_tile_overlayer_lowered:
.L_overlay_start_2:
0x4b: {  	(tag) =	ssettag $0x2  }
0x4c: {  	s0 =	rddreg [dreg:$0x0];
	s2 =	stileid.u32  }
0x4d: {  	s1 =	rddreg [dreg:$0x1];
	p0 =	sne.s32 s2, $0x0  }
0x4e: {  	s3 =	rddreg [dreg:$0x2];
	[bflag:$0x3] =	sbarrier.arrive $0xFFFF;
	s2 =	simm.s32 @!p0 $0x1C05  }
0x4f: {  	[timem:s3], [sflag:s2] =	dma.local @!p0 [hbm:s0], s1  }
0x50: {  	s0 =	simm.s32 @!p0 $0x5  }
0x51: {  	_ =	swait.ge @!p0 [sflag:s0], s1  }
0x52: {  	s1 =	ssub.s32 @!p0 $0x0, s1;
	[sflag:s0] =	ssyncset.done @!p0 $0x0  }
0x53: {  	[sflag:s0] =	ssyncadd.s32 @!p0 s1  }
0x54: {  	[bflag:$0x3] =	sbarrier.arrive $0xFFFF  }
0x55: {  	_ =	shalt  }

</sc_bundles>
